<compile_context>
chip_gen: v7x
topology: tpu7x:2x2x1
jax: 0.10.2.dev20260603
libtpu: 0.0.44.dev20260713+nightly
codegen_flags: <defaults>
</compile_context>

<pallas_src>
import functools

import jax
import jax.numpy as jnp
import numpy as np
from jax import lax
from jax.experimental import pallas as pl
from jax.experimental.pallas import tpu as pltpu
from jax.experimental.pallas import tpu_sc as plsc

_NUM_CLASSES = 15
_N_PAIRS = 60
_N_LOCAL = 20
_N_MID = 20
_N_GLOBAL = _N_PAIRS - _N_LOCAL - _N_MID
_WINDOW = 5
_NUM_BLOCKS = 4
_D = 200
_BLOCK_SIZE = _D // _NUM_BLOCKS

_NC = 2
_NS = 16
_NW = _NC * _NS
_GW = 128


@functools.lru_cache(maxsize=4)
def _gather_indices(batch: int) -> np.ndarray:
    cpu = jax.local_devices(backend="cpu")[0]
    with jax.default_device(cpu):
        return np.asarray(_gather_indices_eval(batch))


def _gather_indices_eval(batch: int) -> jax.Array:
    key = jax.random.key(42)
    kc, ko, kb, ki, kj, kg1, kg2 = jax.random.split(key, 7)
    centers = jax.random.randint(kc, (batch, _N_LOCAL), _WINDOW, _D - _WINDOW)
    offs = jax.random.randint(ko, (batch, _N_LOCAL), 0, 2 * _WINDOW + 1) - _WINDOW
    offs = jnp.where(offs == 0, 1, offs)
    local = jnp.stack([centers, centers + offs], axis=-1)
    sb = jax.random.randint(kb, (batch, _N_MID), 0, _NUM_BLOCKS - 1)
    i = sb * _BLOCK_SIZE + jax.random.randint(ki, (batch, _N_MID), 0, _BLOCK_SIZE)
    j = (sb + 1) * _BLOCK_SIZE + jax.random.randint(kj, (batch, _N_MID), 0, _BLOCK_SIZE)
    mid = jnp.stack([i, j], axis=-1)
    gi = jax.random.randint(kg1, (batch, _N_GLOBAL), 0, _D)
    gj = jax.random.randint(kg2, (batch, _N_GLOBAL), 0, _D)
    glob = jnp.stack([gi, gj], axis=-1)
    pairs = jnp.concatenate([local, mid, glob], axis=1)

    rows_w = batch // _NW
    lb = (jnp.arange(batch, dtype=jnp.int32) % rows_w)[:, None]
    ci = (pairs[:, :, 0].astype(jnp.int32) << 8) | lb
    cj = (pairs[:, :, 1].astype(jnp.int32) << 8) | lb
    pad = jnp.broadcast_to(lb, (batch, 4))
    idx = jnp.concatenate([ci, pad, cj, pad], axis=1)
    return idx.reshape(-1)


def _sc_gather(x_t: jax.Array, idx_flat: jax.Array, batch: int) -> jax.Array:
    rows_w = batch // _NW
    gw = rows_w * _GW
    mesh = plsc.VectorSubcoreMesh(
        core_axis_name="c", subcore_axis_name="s",
        num_cores=_NC, num_subcores=_NS)

    @functools.partial(
        pl.kernel,
        out_type=jax.ShapeDtypeStruct((batch * _GW,), jnp.float32),
        mesh=mesh,
        compiler_params=pltpu.CompilerParams(needs_layout_passes=False),
        scratch_types=[
            pltpu.VMEM((_D, rows_w), jnp.float32),
            pltpu.VMEM((gw,), jnp.int32),
            pltpu.VMEM((gw,), jnp.float32),
        ],
    )
    def sc_kernel(x_hbm, idx_hbm, out_hbm, x_v, idx_v, g_v):
        wid = lax.axis_index("s") * _NC + lax.axis_index("c")
        pltpu.sync_copy(x_hbm.at[:, pl.ds(wid * rows_w, rows_w)], x_v)
        pltpu.sync_copy(idx_hbm.at[pl.ds(wid * gw, gw)], idx_v)

        @plsc.parallel_loop(0, gw, 16, unroll=8)
        def _(off):
            iv = idx_v[pl.ds(off, 16)]
            rows = jax.lax.shift_right_logical(iv, 8)
            cols = jax.lax.bitwise_and(iv, 255)
            g_v[pl.ds(off, 16)] = plsc.load_gather(x_v, [rows, cols])

        pltpu.sync_copy(g_v, out_hbm.at[pl.ds(wid * gw, gw)])

    return sc_kernel(x_t, idx_flat)


def _perm_matrix():
    p_mat = np.zeros((240, 192), np.float32)
    for pair in range(_N_PAIRS):
        p_mat[2 * pair, pair] = 1.0
        p_mat[2 * pair + 1, 64 + pair] = 1.0
        p_mat[120 + 2 * pair, 128 + pair] = 1.0
    return p_mat


_PERM = _perm_matrix()

_gather_indices(4096)


def _tc_body(g_ref, p_ref, ab_ref, o_ref, cs_ref):
    c = pl.program_id(0)

    @pl.when(c == 0)
    def _():
        gt = g_ref[...].T
        cg = jnp.cos(gt)
        sg = jnp.sin(gt)
        v = sg[0:64, :] * sg[64:128, :]
        mt = jnp.concatenate([cg, v], axis=0)
        cs_ref[...] = jnp.dot(p_ref[...], mt, preferred_element_type=jnp.float32)

    o_ref[...] = (0.5 + ab_ref[c, 0] * cs_ref[0:120, :]
                  - ab_ref[c, 1] * cs_ref[120:240, :])


def _tc_expand(g2d: jax.Array, ab: jax.Array) -> jax.Array:
    batch = g2d.shape[0]
    return pl.pallas_call(
        _tc_body,
        grid=(_NUM_CLASSES,),
        in_specs=[
            pl.BlockSpec((batch, _GW), lambda c: (0, 0)),
            pl.BlockSpec((240, 192), lambda c: (0, 0)),
            pl.BlockSpec(memory_space=pltpu.SMEM),
        ],
        out_specs=pl.BlockSpec((120, batch), lambda c: (c, 0)),
        out_shape=jax.ShapeDtypeStruct((1800, batch), jnp.float32),
        scratch_shapes=[pltpu.VMEM((240, batch), jnp.float32)],
    )(g2d, jnp.asarray(_PERM), ab)


def kernel(x, q_params):
    batch = x.shape[0]
    idx = _gather_indices(batch)
    g = _sc_gather(x.T, idx, batch)
    a_cls = jnp.cos(q_params[:, 1]) * 0.5
    b_cls = jnp.cos(q_params[:, 0]) * jnp.sin(q_params[:, 1]) * 0.5
    ab = jnp.stack([a_cls, b_cls], axis=1)
    out_t = _tc_expand(g.reshape(batch, _GW), ab)
    return out_t.reshape(_NUM_CLASSES, 2 * _N_PAIRS, batch).transpose(2, 1, 0)

# --- scband reference (transcript-rebuilt; emitter-appended) ---
"""Pipeline reference for scband-stratified-sampling-fuzzy-layer-scene15-89816356094166 (READ-ONLY COPY).

The authoritative reference and input builder live on the scoring server;
editing this copy changes nothing except your own understanding.
"""

import jax, jax.numpy as jnp
import numpy as np

NUM_CLASSES = 15
N_PAIRS = 60
N_LOCAL = 20
N_MID = 20
N_GLOBAL = N_PAIRS - N_LOCAL - N_MID
WINDOW = 5
NUM_BLOCKS = 4
D = 200
BLOCK_SIZE = D // NUM_BLOCKS
BATCH = 4096


def _gen_pairs(batch, key):
    kc, ko, kb, ki, kj, kg1, kg2 = jax.random.split(key, 7)
    # local pairs: center in [W, D-W), offset in [-W, W] \ {0}
    centers = jax.random.randint(kc, (batch, N_LOCAL), WINDOW, D - WINDOW)
    offs = jax.random.randint(ko, (batch, N_LOCAL), 0, 2 * WINDOW + 1) - WINDOW
    offs = jnp.where(offs == 0, 1, offs)
    local = jnp.stack([centers, centers + offs], axis=-1)
    # mid-range pairs: random start block (excluding last), partner in next block
    sb = jax.random.randint(kb, (batch, N_MID), 0, NUM_BLOCKS - 1)
    i = sb * BLOCK_SIZE + jax.random.randint(ki, (batch, N_MID), 0, BLOCK_SIZE)
    j = (sb + 1) * BLOCK_SIZE + jax.random.randint(kj, (batch, N_MID), 0, BLOCK_SIZE)
    mid = jnp.stack([i, j], axis=-1)
    # global pairs: completely random pairing over [0, D)
    gi = jax.random.randint(kg1, (batch, N_GLOBAL), 0, D)
    gj = jax.random.randint(kg2, (batch, N_GLOBAL), 0, D)
    glob = jnp.stack([gi, gj], axis=-1)
    return jnp.concatenate([local, mid, glob], axis=1)  # [B, N_PAIRS, 2]


def _quantum(angles, params):
    # angles: [N, 2] encoding angles; params: [C, 2] (theta_rz0, theta_ry0)
    # circuit: RY(x0)@w0, RY(x1)@w1, RZ(t0)@w0, CNOT(0,1), RY(t1)@w0, CNOT(0,1), measure Z0,Z1
    a0 = angles[:, 0] / 2.0
    a1 = angles[:, 1] / 2.0
    c0, s0 = jnp.cos(a0), jnp.sin(a0)
    c1, s1 = jnp.cos(a1), jnp.sin(a1)
    amp0 = jnp.stack([c0, s0], axis=-1)  # [N, 2] wire0 amplitudes (RY|0>)
    amp1 = jnp.stack([c1, s1], axis=-1)  # [N, 2] wire1 amplitudes
    state = (amp0[:, :, None] * amp1[:, None, :]).astype(jnp.complex64)  # [N, 2, 2]
    # RZ(t0) on wire0, per class -> [C, N, 2, 2]
    th0 = params[:, 0][:, None] / 2.0  # [C, 1]
    phase = jnp.stack([jnp.exp(-1j * th0), jnp.exp(1j * th0)], axis=1)  # [C, 2, 1]
    state = state[None, :, :, :] * phase[:, None, :, :]
    # CNOT(control=0, target=1): flip wire1 where wire0 == 1
    state = jnp.stack([state[:, :, 0, :], state[:, :, 1, ::-1]], axis=2)
    # RY(t1) on wire0, per class
    th1 = params[:, 1] / 2.0
    ct, st = jnp.cos(th1), jnp.sin(th1)
    new0 = ct[:, None, None] * state[:, :, 0, :] - st[:, None, None] * state[:, :, 1, :]
    new1 = st[:, None, None] * state[:, :, 0, :] + ct[:, None, None] * state[:, :, 1, :]
    state = jnp.stack([new0, new1], axis=2)
    # CNOT again
    state = jnp.stack([state[:, :, 0, :], state[:, :, 1, ::-1]], axis=2)
    probs = jnp.abs(state) ** 2  # [C, N, 2, 2]
    z0 = probs[:, :, 0, :].sum(-1) - probs[:, :, 1, :].sum(-1)
    z1 = probs[:, :, :, 0].sum(-1) - probs[:, :, :, 1].sum(-1)
    meas = jnp.stack([z0, z1], axis=-1)  # [C, N, 2]
    return (meas + 1.0) / 2.0


def setup_inputs(seed: int = 0) -> dict:
    key = jax.random.key(seed)
    k1, k2 = jax.random.split(key)
    x = jax.random.uniform(k1, (BATCH, D), dtype=jnp.float32)
    q_params = jax.random.uniform(k2, (NUM_CLASSES, 2), minval=-np.pi, maxval=np.pi, dtype=jnp.float32)
    return {"x": x, "q_params": q_params}


def reference(x, q_params):
    batch = x.shape[0]
    pairs = _gen_pairs(batch, jax.random.key(42))  # [B, P, 2] int
    pf = jnp.take_along_axis(x, pairs.reshape(batch, -1), axis=1).reshape(batch, N_PAIRS, 2)
    angles = pf.reshape(batch * N_PAIRS, 2)
    qout = _quantum(angles, q_params)  # [C, B*P, 2]
    qout = qout.reshape(NUM_CLASSES, batch, N_PAIRS * 2)
    return jnp.transpose(qout, (1, 2, 0))  # [B, n_pairs*2, num_classes]

if __name__ == "__main__":
    import jax
    _d = setup_inputs()
    print(jax.jit(kernel)(*tuple(_d.values())))

</pallas_src>

<mosaic_0001>
#map = affine_map<(d0, d1) -> (0, 0)>
#map1 = affine_map<(d0, d1) -> (0)>
module attributes {stable_mosaic.version = 14 : i64} {
  func.func @sc_kernel(%arg0: i32, %arg1: i32, %arg2: memref<200x4096xf32, #tpu.memory_space<hbm>>, %arg3: memref<524288xi32, #tpu.memory_space<hbm>>, %arg4: memref<524288xf32, #tpu.memory_space<hbm>>, %arg5: memref<200x128xf32, #tpu.memory_space<vmem>>, %arg6: memref<16384xi32, #tpu.memory_space<vmem>>, %arg7: memref<16384xf32, #tpu.memory_space<vmem>>) attributes {dimension_semantics = [#tpu.dimension_semantics<core_parallel>, #tpu.dimension_semantics<subcore_parallel>], iteration_bounds = array<i64: 2, 16>, scalar_prefetch = 0 : i64, scratch_operands = 3 : i64, tpu.core_type = #tpu.core_type<sc_vector_subcore>, window_params = [{transform_indices = #map}, {transform_indices = #map1}, {transform_indices = #map1}]} {
    %mul3A = arith.constant 2 : i32
    %mul3A_0 = arith.muli %arg1, %mul3A : i32
    %add3A = arith.addi %mul3A_0, %arg0 : i32
    %mul3A_1 = arith.constant 128 : i32
    %mul3A_2 = arith.muli %add3A, %mul3A_1 : i32
    "tpu.region"() ({
      %run_scoped3A = tpu.sem_alloc : memref<!tpu.dma_semaphore, #tpu.memory_space<semaphore_mem>>
      %dma_start3A = arith.constant 0 : i32
      %dma_start3A_9 = tpu.memref_slice %arg2[%dma_start3A, %mul3A_2] : memref<200x4096xf32, #tpu.memory_space<hbm>> -> memref<200x128xf32, #tpu.memory_space<hbm>>
      %dma_start3A_10 = arith.constant 0 : i32
      %dma_start3A_11 = tpu.memref_slice %arg2[%dma_start3A_10, %mul3A_2] : memref<200x4096xf32, #tpu.memory_space<hbm>> -> memref<200x128xf32, #tpu.memory_space<hbm>>
      tpu.enqueue_dma source(%dma_start3A_11 : memref<200x128xf32, #tpu.memory_space<hbm>>) target(%arg5 : memref<200x128xf32, #tpu.memory_space<vmem>>) target_semaphore(%run_scoped3A : memref<!tpu.dma_semaphore, #tpu.memory_space<semaphore_mem>>)
      %dma_wait3A = arith.constant 0 : i32
      %dma_wait3A_12 = tpu.memref_slice %arg2[%dma_wait3A, %mul3A_2] : memref<200x4096xf32, #tpu.memory_space<hbm>> -> memref<200x128xf32, #tpu.memory_space<hbm>>
      %dma_wait3A_13 = arith.constant 0 : i32
      %dma_wait3A_14 = tpu.memref_slice %arg2[%dma_wait3A_13, %mul3A_2] : memref<200x4096xf32, #tpu.memory_space<hbm>> -> memref<200x128xf32, #tpu.memory_space<hbm>>
      tpu.wait_dma2 semaphore(%run_scoped3A : memref<!tpu.dma_semaphore, #tpu.memory_space<semaphore_mem>>) src(%dma_wait3A_14 : memref<200x128xf32, #tpu.memory_space<hbm>>) dst(%arg5 : memref<200x128xf32, #tpu.memory_space<vmem>>)
      tpu.yield
    }) : () -> ()
    %mul3A_3 = arith.constant 16384 : i32
    %mul3A_4 = arith.muli %add3A, %mul3A_3 : i32
    "tpu.region"() ({
      %run_scoped3A = tpu.sem_alloc : memref<!tpu.dma_semaphore, #tpu.memory_space<semaphore_mem>>
      %dma_start3A = tpu.memref_slice %arg3[%mul3A_4] : memref<524288xi32, #tpu.memory_space<hbm>> -> memref<16384xi32, #tpu.memory_space<hbm>>
      %dma_start3A_9 = tpu.memref_slice %arg3[%mul3A_4] : memref<524288xi32, #tpu.memory_space<hbm>> -> memref<16384xi32, #tpu.memory_space<hbm>>
      tpu.enqueue_dma source(%dma_start3A_9 : memref<16384xi32, #tpu.memory_space<hbm>>) target(%arg6 : memref<16384xi32, #tpu.memory_space<vmem>>) target_semaphore(%run_scoped3A : memref<!tpu.dma_semaphore, #tpu.memory_space<semaphore_mem>>)
      %dma_wait3A = tpu.memref_slice %arg3[%mul3A_4] : memref<524288xi32, #tpu.memory_space<hbm>> -> memref<16384xi32, #tpu.memory_space<hbm>>
      %dma_wait3A_10 = tpu.memref_slice %arg3[%mul3A_4] : memref<524288xi32, #tpu.memory_space<hbm>> -> memref<16384xi32, #tpu.memory_space<hbm>>
      tpu.wait_dma2 semaphore(%run_scoped3A : memref<!tpu.dma_semaphore, #tpu.memory_space<semaphore_mem>>) src(%dma_wait3A_10 : memref<16384xi32, #tpu.memory_space<hbm>>) dst(%arg6 : memref<16384xi32, #tpu.memory_space<vmem>>)
      tpu.yield
    }) : () -> ()
    %parallel_loop3A = arith.constant 0 : i32
    %parallel_loop3A_5 = arith.constant 16384 : i32
    %parallel_loop3A_6 = arith.constant 16 : i32
    scf.for %parallel_loop3A_9 = %parallel_loop3A to %parallel_loop3A_5 step %parallel_loop3A_6  : i32 {
      %parallel_loop3A_10 = arith.index_cast %parallel_loop3A_9 : i32 to index
      %parallel_loop3A_11 = tpu.vector_load %arg6[%parallel_loop3A_10] {strides = array<i32>} : memref<16384xi32, #tpu.memory_space<vmem>>, vector<16xi32>,
      %parallel_loop3A_12 = arith.constant 8 : i32
      %parallel_loop3A_13 = vector.broadcast %parallel_loop3A_12 : i32 to vector<16xi32>
      %parallel_loop3A_14 = arith.shrui %parallel_loop3A_11, %parallel_loop3A_13 : vector<16xi32>
      %parallel_loop3A_15 = arith.constant 255 : i32
      %parallel_loop3A_16 = vector.broadcast %parallel_loop3A_15 : i32 to vector<16xi32>
      %parallel_loop3A_17 = arith.andi %parallel_loop3A_11, %parallel_loop3A_16 : vector<16xi32>
      %parallel_loop3A_18 = tpu.vector_load_idx %arg5[%parallel_loop3A_14, %parallel_loop3A_17] : memref<200x128xf32, #tpu.memory_space<vmem>>[vector<16xi32>, vector<16xi32>], vector<16xf32>,
      %parallel_loop3A_19 = arith.index_cast %parallel_loop3A_9 : i32 to index
      %parallel_loop3A_20 = tpu.vector_load %arg7[%parallel_loop3A_19] {strides = array<i32>} : memref<16384xf32, #tpu.memory_space<vmem>>, vector<16xf32>,
      tpu.vector_store %arg7[%parallel_loop3A_19], %parallel_loop3A_18 {strides = array<i32>} : memref<16384xf32, #tpu.memory_space<vmem>>, vector<16xf32>,
    } {sc.loop_unroll_factor = 8 : i64, sc.parallel_access}
    %mul3A_7 = arith.constant 16384 : i32
    %mul3A_8 = arith.muli %add3A, %mul3A_7 : i32
    "tpu.region"() ({
      %run_scoped3A = tpu.sem_alloc : memref<!tpu.dma_semaphore, #tpu.memory_space<semaphore_mem>>
      %dma_start3A = tpu.memref_slice %arg4[%mul3A_8] : memref<524288xf32, #tpu.memory_space<hbm>> -> memref<16384xf32, #tpu.memory_space<hbm>>
      %dma_start3A_9 = tpu.memref_slice %arg4[%mul3A_8] : memref<524288xf32, #tpu.memory_space<hbm>> -> memref<16384xf32, #tpu.memory_space<hbm>>
      tpu.enqueue_dma source(%arg7 : memref<16384xf32, #tpu.memory_space<vmem>>) target(%dma_start3A_9 : memref<16384xf32, #tpu.memory_space<hbm>>) target_semaphore(%run_scoped3A : memref<!tpu.dma_semaphore, #tpu.memory_space<semaphore_mem>>)
      %dma_wait3A = tpu.memref_slice %arg4[%mul3A_8] : memref<524288xf32, #tpu.memory_space<hbm>> -> memref<16384xf32, #tpu.memory_space<hbm>>
      %dma_wait3A_10 = tpu.memref_slice %arg4[%mul3A_8] : memref<524288xf32, #tpu.memory_space<hbm>> -> memref<16384xf32, #tpu.memory_space<hbm>>
      tpu.wait_dma2 semaphore(%run_scoped3A : memref<!tpu.dma_semaphore, #tpu.memory_space<semaphore_mem>>) src(%arg7 : memref<16384xf32, #tpu.memory_space<vmem>>) dst(%dma_wait3A_10 : memref<16384xf32, #tpu.memory_space<hbm>>)
      tpu.yield
    }) : () -> ()
    return
  }
}

module attributes {stable_mosaic.version = 14 : i64} {
  func.func @_tc_body(%arg0: i32, %arg1: memref<4096x128xf32, #tpu.memory_space<vmem>>, %arg2: memref<240x192xf32, #tpu.memory_space<vmem>>, %arg3: memref<15x2xf32, #tpu.memory_space<smem>>, %arg4: memref<120x4096xf32, #tpu.memory_space<vmem>>, %arg5: memref<240x4096xf32, #tpu.memory_space<vmem>>) attributes {dimension_semantics = [#tpu.dimension_semantics<arbitrary>], iteration_bounds = array<i64: 15>, scalar_prefetch = 0 : i64, scratch_operands = 1 : i64, tpu.core_type = #tpu.core_type<tc>, window_params = [{pipeline_mode = #tpu.pipeline_mode<synchronous>, transform_indices = @transform_0, window_bounds = array<i64: 4096, 128>}, {pipeline_mode = #tpu.pipeline_mode<synchronous>, transform_indices = @transform_1, window_bounds = array<i64: 240, 192>}, {transform_indices = @transform_2, window_bounds = array<i64: 15, 2>}, {transform_indices = @transform_3, window_bounds = array<i64: 120, 4096>}]} {
    %eq3A = arith.constant 0 : i32
    %eq3A_0 = arith.cmpi eq, %arg0, %eq3A : i32
    %convert_element_type3A = arith.extui %eq3A_0 : i1 to i32
    %cond3A = arith.constant 0 : i32
    %cond3A_1 = arith.cmpi ne, %convert_element_type3A, %cond3A : i32
    scf.if %cond3A_1 {
      %get3A_20 = arith.constant 0 : index
      %get3A_21 = arith.constant 0 : index
      %get3A_22 = vector.load %arg1[%get3A_20, %get3A_21] : memref<4096x128xf32, #tpu.memory_space<vmem>>, vector<4096x128xf32>
      %transpose3A = tpu.transpose %get3A_22, [1, 0] : vector<4096x128xf32> -> vector<128x4096xf32>
      %cos3A = math.cos %transpose3A : vector<128x4096xf32>
      %sin3A = math.sin %transpose3A : vector<128x4096xf32>
      %slice3A = vector.extract_strided_slice %sin3A {offsets = [0, 0], sizes = [64, 4096], strides = [1, 1]} : vector<128x4096xf32> to vector<64x4096xf32>
      %slice3A_23 = vector.extract_strided_slice %sin3A {offsets = [64, 0], sizes = [64, 4096], strides = [1, 1]} : vector<128x4096xf32> to vector<64x4096xf32>
      %mul3A_24 = arith.mulf %slice3A, %slice3A_23 : vector<64x4096xf32>
      %concatenate3A = tpu.concatenate %cos3A, %mul3A_24 in 0 : vector<128x4096xf32>, vector<64x4096xf32> -> vector<192x4096xf32>
      %get3A_25 = arith.constant 0 : index
      %get3A_26 = arith.constant 0 : index
      %get3A_27 = vector.load %arg2[%get3A_25, %get3A_26] : memref<240x192xf32, #tpu.memory_space<vmem>>, vector<240x192xf32>
      %dot_general3A = arith.constant dense<0.000000e+00> : vector<240x4096xf32>
      %dot_general3A_28 = tpu.matmul %get3A_27, %concatenate3A, %dot_general3A {dimension_numbers = #tpu.dot_dimension_numbers<[1], [0], [0], [1], [0, 0, 1, 1], [], []>, transpose_lhs_hint = false} : vector<240x192xf32>, vector<192x4096xf32>, vector<240x4096xf32> -> vector<240x4096xf32>
      %swap3A_29 = arith.constant 0 : index
      %swap3A_30 = arith.constant 0 : index
      %swap3A_31 = vector.load %arg5[%swap3A_29, %swap3A_30] : memref<240x4096xf32, #tpu.memory_space<vmem>>, vector<240x4096xf32>
      tpu.vector_store %arg5[%swap3A_29, %swap3A_30], %dot_general3A_28 {strides = array<i32>} : memref<240x4096xf32, #tpu.memory_space<vmem>>, vector<240x4096xf32>,
    } else {
    }
    %get3A = arith.index_cast %arg0 : i32 to index
    %get3A_2 = arith.constant 0 : index
    %get3A_3 = memref.load %arg3[%get3A, %get3A_2] : memref<15x2xf32, #tpu.memory_space<smem>>
    %get3A_4 = arith.constant 0 : index
    %get3A_5 = arith.constant 0 : index
    %get3A_6 = vector.load %arg5[%get3A_4, %get3A_5] : memref<240x4096xf32, #tpu.memory_space<vmem>>, vector<120x4096xf32>
    %mul3A = vector.broadcast %get3A_3 : f32 to vector<120x4096xf32>
    %mul3A_7 = arith.mulf %mul3A, %get3A_6 : vector<120x4096xf32>
    %add3A = arith.constant 5.000000e-01 : f32
    %add3A_8 = vector.broadcast %add3A : f32 to vector<120x4096xf32>
    %add3A_9 = arith.addf %add3A_8, %mul3A_7 : vector<120x4096xf32>
    %get3A_10 = arith.index_cast %arg0 : i32 to index
    %get3A_11 = arith.constant 1 : index
    %get3A_12 = memref.load %arg3[%get3A_10, %get3A_11] : memref<15x2xf32, #tpu.memory_space<smem>>
    %get3A_13 = arith.constant 120 : index
    %get3A_14 = arith.constant 0 : index
    %get3A_15 = vector.load %arg5[%get3A_13, %get3A_14] : memref<240x4096xf32, #tpu.memory_space<vmem>>, vector<120x4096xf32>
    %mul3A_16 = vector.broadcast %get3A_12 : f32 to vector<120x4096xf32>
    %mul3A_17 = arith.mulf %mul3A_16, %get3A_15 : vector<120x4096xf32>
    %sub3A = arith.subf %add3A_9, %mul3A_17 : vector<120x4096xf32>
    %swap3A = arith.constant 0 : index
    %swap3A_18 = arith.constant 0 : index
    %swap3A_19 = vector.load %arg4[%swap3A, %swap3A_18] : memref<120x4096xf32, #tpu.memory_space<vmem>>, vector<120x4096xf32>
    tpu.vector_store %arg4[%swap3A, %swap3A_18], %sub3A {strides = array<i32>} : memref<120x4096xf32, #tpu.memory_space<vmem>>, vector<120x4096xf32>,
    return
  }
  func.func @transform_0(%arg0: i32) -> (i32, i32) {
    %c0_i32 = arith.constant 0 : i32
    %c0_i32_0 = arith.constant 0 : i32
    %c0_i32_1 = arith.constant 0 : i32
    return %c0_i32, %c0_i32_0 : i32, i32
  }
  func.func @transform_1(%arg0: i32) -> (i32, i32) {
    %c0_i32 = arith.constant 0 : i32
    %c0_i32_0 = arith.constant 0 : i32
    %c0_i32_1 = arith.constant 0 : i32
    return %c0_i32, %c0_i32_0 : i32, i32
  }
  func.func @transform_2(%arg0: i32) -> (i32, i32) {
    %c0_i32 = arith.constant 0 : i32
    %c0_i32_0 = arith.constant 0 : i32
    %c0_i32_1 = arith.constant 0 : i32
    return %c0_i32, %c0_i32_0 : i32, i32
  }
  func.func @transform_3(%arg0: i32) -> (i32, i32) {
    %c0_i32 = arith.constant 0 : i32
    %c0_i32_0 = arith.constant 0 : i32
    return %arg0, %c0_i32 : i32, i32
  }
}

</mosaic_0001>

<sc_bundles>
// kernel: kernel.4.cloned.1.call-start
scs
__scs_entry_jumppad:
0x0: {  	(pc) =	sbr.rel $0x88, $3  }
0x1: {  	(tag) =	ssettag $0x0;
	lr =	simm.s32 $0x1  }
0x2: {  	[smem:$0x3F9F] =	sst lr;
	_ =	strace $0xD0000000  }
0x3: {  	_ = 	snop  }
0x4: {  	_ = 	snop  }
0x5: {  	_ = 	snop  }
0x6: {  	_ = 	snop  }
0x7: {  	_ = 	snop  }
__scs_overlays_trampoline_lowered:
0x8: {  	[smem:$0x3FAE] =	sst s0  }
0x9: {  	[smem:$0x3FAF] =	sst s1  }
0xa: {  	[smem:$0x3FB0] =	sst s2  }
0xb: {  	[smem:$0x3FB1] =	sst s3  }
0xc: {  	[smem:$0x3FB2] =	sst s4  }
0xd: {  	[smem:$0x3FB3] =	sst s5  }
0xe: {  	[smem:$0x3FB4] =	sst s6  }
0xf: {  	[smem:$0x3FB5] =	sst s7  }
0x10: {  	[smem:$0x3FB6] =	sst s8  }
0x11: {  	[smem:$0x3FB7] =	sst s9;
	s0 =	simm.s32 @!p0 $0x0  }
0x12: {  	s1 =	sld [smem:$0x3F9D];
	s0 =	simm.s32 @p0 $0x1  }
0x13: {  	[smem:$0x3FB8] =	sst s0;
	s0 =	simm.s32 @!p1 $0x0  }
0x14: {  	s2 =	sld [smem:$0x3F9C];
	s0 =	simm.s32 @p1 $0x1  }
0x15: {  	[smem:$0x3FB9] =	sst s0;
	s0 =	simm.s32 @!p2 $0x0  }
0x16: {  	s3 =	sld [smem:$0x3FDB];
	s0 =	simm.s32 @p2 $0x1  }
0x17: {  	s4 =	simm.s32 $0x1BF5;
	[smem:$0x3FBB] =	sst s0  }
0x18: {  	s0 =	sld [smem:$0x3F9E];
	_ =	swait.ge [sflag:s4], $0x0  }
0x19: {  	s7 =	sld [smem:$0x3F9F]  }
0x1a: {  	s8 =	sadd.s32 $0xFFFFE003, lr  }
0x1b: {  	s9 =	sadd.s32 $0xFFFFFEF7, lr;
	s5 =	simm.s32 $0xFFFFFFFF;
	p2 =	slt.u32 s8, $0xFFFFF086  }
0x1c: {  	p1 =	slt.u32 s9, $0xF7A;
	s5 =	simm.s32 @!p2 $0x0  }
0x1d: {  	s5 =	simm.s32 @p1 $0x1;
	p0 =	seq.s32 s7, s2  }
0x1e: {  	s7 =	smul.u32 @!p0 $0xF7A, s2;
	p2 =	seq.s32 @!p0 s5, $0x0  }
0x1f: {  	s9 =	smul.u32 $0xF7A, s1;
	s8 =	simm.s32 @!p0 $0x1BF5;
	p2 =	por !p2, p0  }
0x20: {  	[sflag:s8] =	ssyncset.s32 @!p0 $0xFFFFF086;
	s6 =	sadd.s32 @!p0 s3, s7;
	s7 =	simm.s32 @!p0 $0x108  }
0x21: {  	s3 =	sadd.s32 s3, s9;
	s6 =	sadd.s32 @!p0 $0x88, s6;
	s7 =	simm.s32 @p2 $0x1082  }
0x22: {  	[simem:s7], [sflag:s8] =	dma.local @!p0 [hbm:s6], $0xF7A  }
0x23: {  	s9 =	sor.u32 $0xD0000000, s2;
	s6 =	simm.s32 $0x108;
	_ =	swait.ge @!p0 [sflag:s8], $0x0  }
0x24: {  	s3 =	sadd.s32 $0x88, s3;
	s6 =	simm.s32 @!p1 $0x1082;
	[sflag:s4] =	ssyncset.s32 $0xFFFFF086  }
0x25: {  	[simem:s6], [sflag:s4] =	dma.local [hbm:s3], $0xF7A  }
0x26: {  	[smem:$0x3F9F] =	sst s1;
	(tag) =	ssettag s2;
	_ =	strace s9  }
0x27: {  	s1 =	sld [smem:$0x3FAF]  }
0x28: {  	s2 =	sld [smem:$0x3FB0]  }
0x29: {  	s4 =	sld [smem:$0x3FB2]  }
0x2a: {  	p0 =	seq.s32 s5, $0x0;
	s5 =	sld [smem:$0x3FB3]  }
0x2b: {  	s6 =	sld [smem:$0x3FB4]  }
0x2c: {  	s7 =	sld [smem:$0x3FB5]  }
0x2d: {  	s3 =	simm.s32 $0x108;
	s8 =	sld [smem:$0x3FB6]  }
0x2e: {  	s3 =	simm.s32 @!p0 $0x1082;
	s9 =	sld [smem:$0x3FB7]  }
0x2f: {  	lr =	sadd.s32 s0, s3;
	s0 =	sld [smem:$0x3FAE]  }
0x30: {  	s3 =	sld [smem:$0x3FB1]  }
0x31: {  	[smem:$0x3FBA] =	sst s10  }
0x32: {  	s10 =	sld [smem:$0x3FB8];
	_ =	sdelay $0x3  }
0x33: {  	p0 =	seq.s32 s10, $0x1;
	s10 =	sld [smem:$0x3FBA];
	_ =	sdelay $0x3  }
0x34: {  	[smem:$0x3FBA] =	sst s10  }
0x35: {  	s10 =	sld [smem:$0x3FB9];
	_ =	sdelay $0x3  }
0x36: {  	p1 =	seq.s32 s10, $0x1;
	s10 =	sld [smem:$0x3FBA];
	_ =	sdelay $0x3  }
0x37: {  	[smem:$0x3FBA] =	sst s10  }
0x38: {  	s10 =	sld [smem:$0x3FBB]  }
0x39: {  	_ = 	snop;
	(pc) =	sbr.ind lr, $3  }
0x3a: {  	_ = 	snop  }
0x3b: {  	_ = 	snop  }
0x3c: {  	p2 =	seq.s32 s10, $0x1;
	s10 =	sld [smem:$0x3FBA]  }
0x3d: {  	_ =	shalt  }
0x3e: {  	_ =	shalt  }
0x3f: {  	_ =	shalt  }
0x40: {  	_ =	shalt  }
0x41: {  	_ =	shalt  }
0x42: {  	_ =	shalt  }
0x43: {  	_ =	shalt  }
0x44: {  	_ =	shalt  }
0x45: {  	_ =	shalt  }
0x46: {  	_ =	shalt  }
0x47: {  	_ =	shalt  }
0x48: {  	_ =	shalt  }
0x49: {  	_ =	shalt  }
0x4a: {  	_ =	shalt  }
0x4b: {  	_ =	shalt  }
0x4c: {  	_ =	shalt  }
0x4d: {  	_ =	shalt  }
0x4e: {  	_ =	shalt  }
0x4f: {  	_ =	shalt  }
0x50: {  	_ =	shalt  }
0x51: {  	_ =	shalt  }
0x52: {  	_ =	shalt  }
0x53: {  	_ =	shalt  }
0x54: {  	_ =	shalt  }
0x55: {  	_ =	shalt  }
0x56: {  	_ =	shalt  }
0x57: {  	_ =	shalt  }
0x58: {  	_ =	shalt  }
0x59: {  	_ =	shalt  }
0x5a: {  	_ =	shalt  }
0x5b: {  	_ =	shalt  }
0x5c: {  	_ =	shalt  }
0x5d: {  	_ =	shalt  }
0x5e: {  	_ =	shalt  }
0x5f: {  	_ =	shalt  }
0x60: {  	_ =	shalt  }
0x61: {  	_ =	shalt  }
0x62: {  	_ =	shalt  }
0x63: {  	_ =	shalt  }
0x64: {  	_ =	shalt  }
0x65: {  	_ =	shalt  }
0x66: {  	_ =	shalt  }
0x67: {  	_ =	shalt  }
0x68: {  	_ =	shalt  }
0x69: {  	_ =	shalt  }
0x6a: {  	_ =	shalt  }
0x6b: {  	_ =	shalt  }
0x6c: {  	_ =	shalt  }
0x6d: {  	_ =	shalt  }
0x6e: {  	_ =	shalt  }
0x6f: {  	_ =	shalt  }
0x70: {  	_ =	shalt  }
0x71: {  	_ =	shalt  }
0x72: {  	_ =	shalt  }
0x73: {  	_ =	shalt  }
0x74: {  	_ =	shalt  }
0x75: {  	_ =	shalt  }
0x76: {  	_ =	shalt  }
0x77: {  	_ =	shalt  }
0x78: {  	_ =	shalt  }
0x79: {  	_ =	shalt  }
0x7a: {  	_ =	shalt  }
0x7b: {  	_ =	shalt  }
0x7c: {  	_ =	shalt  }
0x7d: {  	_ =	shalt  }
0x7e: {  	_ =	shalt  }
0x7f: {  	_ =	shalt  }
0x80: {  	_ =	shalt  }
0x81: {  	_ =	shalt  }
0x82: {  	_ =	shalt  }
0x83: {  	_ =	shalt  }
0x84: {  	_ =	shalt  }
0x85: {  	_ =	shalt  }
0x86: {  	_ =	shalt  }
0x87: {  	_ =	shalt  }
.Lfunc_end0:
.L_simem_size_0:
called_computation_lowered:
.L_overlay_start_0:
0x88: {  	s2 =	sld [smem:$0x3FD9]  }
0x89: {  	s3 =	sld [smem:$0x3FFE];
	_ =	sdelay $0x1  }
0x8a: {  	s1 =	srdreg.scid  }
0x8b: {  	s0 =	sand.u32 $0x1, s1  }
0x8c: {  	s17 =	sshll.u32 s0, $0xA;
	s2 =	sadd.s32 s3, s2  }
0x8d: {  	s2 =	sadd.s32 s2, s17  }
0x8e: {  	[smem:$0x3FC6] =	sst s2  }
0x8f: {  	_ = 	snop  }
0x90: {  	s2 =	sld [smem:$0x3FC9]  }
0x91: {  	s18 =	sld [smem:$0x3FD0];
	(tm) =	ssettm $0x1  }
0x92: {  	s4 =	sld [smem:$0x3FFB];
	_ =	sdelay $0x3  }
0x93: {  	_ =	strace s4  }
0x94: {  	s4 =	sld [smem:$0x3FFC];
	_ =	sdelay $0x3  }
0x95: {  	_ =	strace s4  }
0x96: {  	s4 =	sld [smem:$0x3FFD];
	_ =	sdelay $0x3  }
0x97: {  	_ =	strace s4  }
0x98: {  	_ =	strace $0x8FFFFFFF  }
0x99: {  	s19 =	sld [smem:$0x3FDB];
	_ =	sdelay $0x1  }
0x9a: {  	s5 =	simm.s32 $_scs_section_size  }
0x9b: {  	s6 =	simm.s32 $_size__tile_overlayer_lowered;
	s7 =	simm.s32 $_tile_overlayer_lowered  }
0x9c: {  	s22 =	simm.s32 $0x1BFF;
	s21 =	sshll.u32 s7, $0x1;
	s4 =	sadd.s32 s5, s19  }
0x9d: {  	s8 =	simm.s32 $0x0;
	s20 =	sshll.u32 s6, $0x1;
	s6 =	sadd.s32 s21, s4  }
0x9e: {  	[timem:s8], [sflag:s22] =	dma.local [hbm:s6], s20  }
0x9f: {  	_ =	swait.ge [sflag:s22], s20  }
0xa0: {  	s5 =	ssub.s32 $0x0, s20;
	[sflag:s22] =	ssyncset.done $0x0  }
0xa1: {  	[sflag:s22] =	ssyncadd.s32 s5;
	_ =	sdelay $0x1  }
0xa2: {  	s23 =	simm.s32 $0x1B8B  }
0xa3: {  	_ =	swait.ge [sflag:s23], $0x1  }
0xa4: {  	[sflag:s23] =	ssyncset.done $0x0  }
0xa5: {  	s25 =	simm.s32 $0x1B8E;
	s24 =	sld [smem:$0x3FFE];
	[sflag:s23] =	ssyncadd.s32 $0xFFFFFFFF  }
0xa6: {  	s26 =	simm.s32 $execute0_lowered;
	[smem:$0x3FD2] =	sst s25  }
0xa7: {  	s6 =	sshll.u32 s26, $0x1;
	_ =	strace $0x80000046;
	[dreg:$0x1] =	wrdreg $0xFFFFFFFF  }
0xa8: {  	s28 =	simm.s32 $_size_execute0_lowered;
	s4 =	sadd.s32 s4, s6;
	[dreg:$0x0] =	wrdreg $0x0  }
0xa9: {  	s6 =	sshll.u32 s28, $0x1;
	[dreg:$0x2] =	wrdreg s4  }
0xaa: {  	[dreg:$0x3] =	wrdreg s6  }
0xab: {  	[dreg:$0x4] =	wrdreg $0xC0  }
0xac: {  	_ =	task [dreg:s8], $0x5FFFF  }
0xad: {  	[dreg:$0x1] =	wrdreg $0xFFFFFFFF  }
0xae: {  	[dreg:$0x0] =	wrdreg $0x60  }
0xaf: {  	[dreg:$0x2] =	wrdreg s2  }
0xb0: {  	[dreg:$0x3] =	wrdreg s18  }
0xb1: {  	[dreg:$0x4] =	wrdreg s24  }
0xb2: {  	[dreg:$0x5] =	wrdreg $0x9  }
0xb3: {  	_ =	task.clear_ibuf [dreg:s8], $0x6FFFF;
	_ =	strace $0x90000046  }
0xb4: {  	s29 =	simm.s32 $0x9;
	_ =	strace $0x80000048  }
0xb5: {  	_ =	swait.ge [sflag:s29], $0x1  }
0xb6: {  	[sflag:s29] =	ssyncadd.s32 $0xFFFFFFFF  }
0xb7: {  	_ =	strace $0x90000048  }
0xb8: {  	_ =	sfence  }
0xb9: {  	s30 =	sld [smem:$0x0];
	_ =	sdelay $0x2  }
0xba: {  	s31 =	sshll.u32 s1, $0xD;
	s1 =	sshrl.u32 s1, $0x2  }
0xbb: {  	s3 =	sand.u32 $0x4000, s31;
	s1 =	sadd.s32 s1, s30  }
0xbc: {  	s0 =	sor.u32 s3, s0;
	s1 =	sshll.u32 s1, $0x11  }
0xbd: {  	s0 =	sor.u32 s1, s0  }
0xbe: {  	s0 =	sadd.s32 $0x8F2B, s0  }
0xbf: {  	[sflag:s0] =	ssyncadd.remote.s32 $0x1  }
0xc0: {  	_ =	sfence.sel $0xFFFF  }
0xc1: {  	[dreg:$0x0] =	wrdreg $0xFFFFFFFF;
	(pc) =	sbr.abs _section_cstart, $3  }
0xc2: {  	[dreg:$0x1] =	wrdreg $0xFFFFFFFF  }
0xc3: {  	_ =	task.clear_ibuf [dreg:s8], $0x2FFFF;
	_ =	strace $0x9FFFFFFF  }
0xc4: {  	(tm) =	ssettm $0x7FFFFFFF  }
0xc5: {  	_ =	shalt  }
tec
execute0_lowered:
.L_overlay_start_1:
0x0: {  	(tag) =	ssettag $0x1  }
0x1: {  	s3 =	rddreg [dreg:$0x0]  }
0x2: {  	s4 =	rddreg [dreg:$0x1]  }
0x3: {  	s5 =	rddreg [dreg:$0x2]  }
0x4: {  	s0 =	rddreg [dreg:$0x3]  }
0x5: {  	s2 =	simm.s32 $0x0;
	s6 =	srdreg.scid;
	s1 =	stileid.u32  }
0x6: {  	s10 =	simm.s32 $0x6400;
	s11 =	simm.s32 $0xA400;
	s12 =	simm.s32 $0x0  }
0x7: {  	[smem:$0x7FF] =	sst s2;
	s6 =	sand.u32 $0x1, s6;
	s7 =	sshll.u32 s1, $0x1  }
0x8: {  	_ =	strace $0x80000047;
	s7 =	sor.u32 s6, s7;
	s6 =	ssub.s32 $0x2, s6  }
0x9: {  	s8 =	sshll.u32 s7, $0xB;
	s9 =	sshrl.u32 s6, $0x1;
	s7 =	sshll.u32 s7, $0x7  }
0xa: {  	s5 =	sadd.s32 s8, s5;
	s6 =	ssub.s32 s6, s9;
	s3 =	sadd.s32 s3, s7  }
0xb: {  	s4 =	sadd.s32 s4, s8;
	s7 =	simm.s32 $0x400;
	s8 =	simm.s32 $0x8000  }
0xc: {  	s9 =	simm.s32 $0x1;
	s5 =	sadd.s32 $0xC00, s5;
	s6 =	smax.u32 s6, $0x1  }
.LBB2_1:
0xd: {  	[tilespmem:s2], [sflag:$0x1] =	stream.strided.gather [hbm4b:s3+s7], $0x6400, s8, s7, $0x38;
	[tilespmem:$0xE400] =	vst v63  }
0xe: {  	_ =	swait.ge [sflag:s9], $0x6400  }
0xf: {  	[sflag:s9] =	ssyncset.done $0x0  }
0x10: {  	[sflag:s9] =	ssyncadd.s32 $0xFFFF9C00  }
0x11: {  	[tilespmem:s10], [sflag:$0x1] =	stream.linear.gather [hbm4b:s4+s2], $0x4000, $0x38;
	[tilespmem:$0xE400] =	vst v63  }
0x12: {  	_ =	swait.ge [sflag:s9], $0x4000  }
0x13: {  	[sflag:s9] =	ssyncset.done $0x0  }
0x14: {  	s13 =	simm.s32 $0x6440;
	[sflag:s9] =	ssyncadd.s32 $0xFFFFC000  }
0x15: {  	v0 =	vld [tilespmem:s13+$0x30]  }
0x16: {  	v1 =	vld [tilespmem:s13+$0xFFFFFFD0]  }
0x17: {  	v2 =	vld [tilespmem:s13+$0xFFFFFFE0]  }
0x18: {  	v3 =	vld [tilespmem:s13+$0xFFFFFFF0]  }
0x19: {  	v5 =	vld [tilespmem:s13+$0x10]  }
0x1a: {  	v8 =	vld [tilespmem:s13+$0x20]  }
0x1b: {  	v10 =	vld [tilespmem:s13+$0xFFFFFFC0]  }
0x1c: {  	v4 =	vld [tilespmem:s13+$0x0]  }
0x1d: {  	v6 =	vshrl.u32 v0, $0x1  }
0x1e: {  	v7 =	vshrl.u32 v1, $0x1;
	v9 =	vand.u32 $0x80, v0;
	v11 =	vshrl.u32 v2, $0x1  }
0x1f: {  	v0 =	vand.u32 $0x7F, v0;
	v12 =	vand.u32 $0x80, v1;
	v13 =	vshrl.u32 v5, $0x1  }
0x20: {  	v14 =	vand.u32 $0x80, v2;
	v15 =	vshrl.u32 v8, $0x1;
	v16 =	vand.u32 $0x80, v10  }
0x21: {  	v17 =	vshrl.u32 v10, $0x1;
	v18 =	vand.u32 $0x80, v3;
	v19 =	vand.u32 $0x80, v4  }
0x22: {  	v20 =	vand.u32 $0x80, v8;
	v10 =	vand.u32 $0x7F, v10;
	v6 =	vand.u32 $0x7FFFFF80, v6  }
0x23: {  	v7 =	vand.u32 $0x7FFFFF80, v7;
	v13 =	vand.u32 $0x7FFFFF80, v13;
	v15 =	vand.u32 $0x7FFFFF80, v15  }
0x24: {  	v17 =	vand.u32 $0x7FFFFF80, v17;
	v6 =	vadd.s32 v9, v6;
	v9 =	vshrl.u32 v3, $0x1  }
0x25: {  	v16 =	vadd.s32 v16, v17;
	v17 =	vand.u32 $0x80, v5;
	v7 =	vadd.s32 v12, v7  }
0x26: {  	s31 =	simm.s32 $0x64C0;
	v0 =	vor.u32 v0, v6;
	v6 =	vand.u32 $0x7FFFFF80, v11;
	v9 =	vand.u32 $0x7FFFFF80, v9  }
0x27: {  	v12 =	vld [tilespmem:s31+$0x30];
	v11 =	vshrl.u32 v4, $0x1;
	v13 =	vadd.s32 v17, v13;
	v17 =	vand.u32 $0x7F, v2  }
0x28: {  	v4 =	vand.u32 $0x7F, v4;
	v2 =	vld [tilespmem:s31+$0xFFFFFFF0];
	v10 =	vor.u32 v10, v16;
	v11 =	vand.u32 $0x7FFFFF80, v11  }
0x29: {  	v6 =	vadd.s32 v14, v6;
	v14 =	vadd.s32 v20, v15;
	v15 =	vand.u32 $0x7F, v1;
	v1 =	vld [tilespmem:s31+$0xFFFFFFE0]  }
0x2a: {  	v9 =	vadd.s32 v18, v9;
	v18 =	vand.u32 $0x7F, v3;
	v3 =	vld [tilespmem:s31+$0x0];
	v11 =	vadd.s32 v19, v11  }
0x2b: {  	v7 =	vor.u32 v15, v7;
	v15 =	vor.u32 v17, v6;
	v17 =	vor.u32 v4, v11;
	v4 =	vld [tilespmem:s31+$0x10]  }
0x2c: {  	v21 =	vld.idx.msk [tilespmem:v0+s2+$0x0], $0xffff  }
0x2d: {  	v8 =	vand.u32 $0x7F, v8;
	v5 =	vand.u32 $0x7F, v5;
	v16 =	vor.u32 v18, v9;
	v0 =	vld [tilespmem:s31+$0xFFFFFFD0]  }
0x2e: {  	v18 =	vor.u32 v5, v13;
	v24 =	vor.u32 v8, v14;
	v6 =	vshrl.u32 v12, $0x1  }
0x2f: {  	v9 =	vand.u32 $0x80, v12;
	v12 =	vand.u32 $0x7F, v12;
	v11 =	vand.u32 $0x7FFFFF80, v6;
	v10 =	vld.idx.msk [tilespmem:v10+s2+$0x0], $0xffff  }
0x30: {  	v5 =	vld [tilespmem:s31+$0x20];
	v29 =	vand.u32 $0x80, v2;
	v13 =	vshrl.u32 v1, $0x1;
	v9 =	vadd.s32 v9, v11  }
0x31: {  	v6 =	vld [tilespmem:s31+$0xFFFFFFC0];
	v28 =	vand.u32 $0x80, v1;
	v22 =	vand.u32 $0x80, v3;
	v12 =	vor.u32 v12, v9  }
0x32: {  	v25 =	vand.u32 $0x7FFFFF80, v13;
	v11 =	vld.idx.msk [tilespmem:v7+s2+$0x0], $0xffff;
	v7 =	vshrl.u32 v4, $0x1;
	v8 =	vshrl.u32 v0, $0x1  }
0x33: {  	s13 =	simm.s32 $0xA440;
	v9 =	vld.idx.msk [tilespmem:v15+s2+$0x0], $0xffff;
	v23 =	vand.u32 $0x80, v4;
	v19 =	vand.u32 $0x7FFFFF80, v8;
	v8 =	vshrl.u32 v2, $0x1  }
0x34: {  	v15 =	vand.u32 $0x7FFFFF80, v7;
	[tilespmem:s13+$0xFFFFFFC0] =	vst v10;
	v10 =	vld.idx.msk [tilespmem:v18+s2+$0x0], $0xffff;
	v26 =	vand.u32 $0x7FFFFF80, v8;
	v8 =	vshrl.u32 v3, $0x1  }
0x35: {  	v7 =	vshrl.u32 v5, $0x1;
	v27 =	vand.u32 $0x80, v0;
	v14 =	vand.u32 $0x7FFFFF80, v8;
	v8 =	vld.idx.msk [tilespmem:v16+s2+$0x0], $0xffff  }
0x36: {  	v20 =	vand.u32 $0x80, v6;
	v13 =	vshrl.u32 v6, $0x1;
	v16 =	vand.u32 $0x7FFFFF80, v7;
	v7 =	vld.idx.msk [tilespmem:v17+s2+$0x0], $0xffff  }
0x37: {  	[tilespmem:s13+$0x30] =	vst v21;
	v21 =	vadd.s32 v27, v19;
	v19 =	vadd.s32 v28, v25;
	v17 =	vand.u32 $0x7FFFFF80, v13;
	v13 =	vld.idx.msk [tilespmem:v12+s2+$0x0], $0xffff  }
0x38: {  	s15 =	simm.s32 $0x80;
	s16 =	simm.s32 $0x6540;
	s14 =	simm.s32 $0xA440;
	v18 =	vadd.s32 v29, v26;
	v12 =	vld.idx.msk [tilespmem:v24+s2+$0x0], $0xffff;
	v17 =	vadd.s32 v20, v17;
	v20 =	vand.u32 $0x80, v5  }
.LBB2_2:
0x39: {  	v24 =	vld [tilespmem:s16+$0x30];
	s15 =	sadd.s32 $0x80, s15;
	v14 =	vadd.s32 v22, v14;
	v15 =	vadd.s32 v23, v15;
	v16 =	vadd.s32 v20, v16;
	[tilespmem:s13+$0xFFFFFFD0] =	vst v11  }
0x3a: {  	v6 =	vand.u32 $0x7F, v6;
	v11 =	vand.u32 $0x7F, v0;
	v20 =	vand.u32 $0x7F, v1;
	p0 =	slt.u32 s15, $0x3F80;
	v0 =	vld [tilespmem:s16+$0xFFFFFFD0];
	[tilespmem:s13+$0xFFFFFFE0] =	vst v9  }
0x3b: {  	v22 =	vand.u32 $0x7F, v3;
	v23 =	vand.u32 $0x7F, v4;
	v9 =	vand.u32 $0x7F, v2;
	s13 =	sadd.s32 $0x80, s13;
	v1 =	vld [tilespmem:s16+$0xFFFFFFE0];
	[tilespmem:s14+$0xFFFFFFF0] =	vst v8  }
0x3c: {  	v5 =	vand.u32 $0x7F, v5;
	v11 =	vor.u32 v11, v21;
	v8 =	vor.u32 v6, v17;
	v2 =	vld [tilespmem:s16+$0xFFFFFFF0];
	[tilespmem:s13+$0x30] =	vst v13  }
0x3d: {  	v17 =	vor.u32 v9, v18;
	v18 =	vor.u32 v22, v14;
	v13 =	vor.u32 v20, v19;
	v3 =	vld [tilespmem:s16+$0x0];
	[tilespmem:s14+$0x0] =	vst v7  }
0x3e: {  	v25 =	vor.u32 v5, v16;
	v19 =	vor.u32 v23, v15;
	v4 =	vld [tilespmem:s16+$0x10];
	v6 =	vshrl.u32 v24, $0x1;
	[tilespmem:s14+$0x10] =	vst v10  }
0x3f: {  	v9 =	vand.u32 $0x80, v24;
	v7 =	vshrl.u32 v0, $0x1;
	v5 =	vld [tilespmem:s16+$0x20];
	v10 =	vand.u32 $0x7FFFFF80, v6;
	[tilespmem:s14+$0x20] =	vst v12;
	s14 =	smov.u32 s13  }
0x40: {  	v14 =	vand.u32 $0x7F, v24;
	v6 =	vld [tilespmem:s16+$0xFFFFFFC0];
	v12 =	vshrl.u32 v1, $0x1;
	v9 =	vadd.s32 v9, v10  }
0x41: {  	v21 =	vand.u32 $0x7FFFFF80, v7;
	v7 =	vshrl.u32 v2, $0x1;
	v10 =	vor.u32 v14, v9;
	v24 =	vld.idx.msk [tilespmem:v8+s2+$0x0], $0xffff  }
0x42: {  	v12 =	vand.u32 $0x7FFFFF80, v12;
	v26 =	vand.u32 $0x7FFFFF80, v7;
	v7 =	vshrl.u32 v3, $0x1;
	v11 =	vld.idx.msk [tilespmem:v11+s2+$0x0], $0xffff  }
0x43: {  	v27 =	vand.u32 $0x80, v0;
	v14 =	vand.u32 $0x7FFFFF80, v7;
	v7 =	vshrl.u32 v4, $0x1;
	v9 =	vld.idx.msk [tilespmem:v13+s2+$0x0], $0xffff  }
.Ltmp0:
0x44: {  	v28 =	vand.u32 $0x80, v1;
	v15 =	vand.u32 $0x7FFFFF80, v7;
	v7 =	vshrl.u32 v5, $0x1;
	v8 =	vld.idx.msk [tilespmem:v17+s2+$0x0], $0xffff;
	(pc) =	sbr.rel @p0 .LBB2_2-.Ltmp0, $4  }
0x45: {  	v17 =	vand.u32 $0x80, v6;
	v13 =	vshrl.u32 v6, $0x1;
	v16 =	vand.u32 $0x7FFFFF80, v7;
	v7 =	vld.idx.msk [tilespmem:v18+s2+$0x0], $0xffff  }
0x46: {  	v29 =	vand.u32 $0x80, v2;
	v22 =	vand.u32 $0x80, v3;
	v18 =	vand.u32 $0x7FFFFF80, v13;
	v13 =	vld.idx.msk [tilespmem:v10+s2+$0x0], $0xffff  }
0x47: {  	v23 =	vand.u32 $0x80, v4;
	v20 =	vand.u32 $0x80, v5;
	v17 =	vadd.s32 v17, v18;
	[tilespmem:s13+$0xFFFFFFC0] =	vst v24;
	v10 =	vld.idx.msk [tilespmem:v19+s2+$0x0], $0xffff  }
0x48: {  	s16 =	sadd.s32 $0x80, s16;
	v21 =	vadd.s32 v27, v21;
	v19 =	vadd.s32 v28, v12;
	v18 =	vadd.s32 v29, v26;
	v12 =	vld.idx.msk [tilespmem:v25+s2+$0x0], $0xffff  }
0x49: {  	v6 =	vand.u32 $0x7F, v6  }
0x4a: {  	v0 =	vand.u32 $0x7F, v0;
	v6 =	vor.u32 v6, v17  }
0x4b: {  	v1 =	vand.u32 $0x7F, v1;
	v0 =	vor.u32 v0, v21  }
0x4c: {  	v2 =	vand.u32 $0x7F, v2;
	v1 =	vor.u32 v1, v19  }
0x4d: {  	v14 =	vadd.s32 v22, v14;
	[tilespmem:s13+$0xFFFFFFD0] =	vst v11;
	v3 =	vand.u32 $0x7F, v3;
	v2 =	vor.u32 v2, v18  }
0x4e: {  	v62 =	vadd.s32 v23, v15;
	[tilespmem:s13+$0xFFFFFFE0] =	vst v9;
	v4 =	vand.u32 $0x7F, v4;
	v3 =	vor.u32 v3, v14  }
0x4f: {  	v63 =	vadd.s32 v20, v16;
	[tilespmem:s14+$0xFFFFFFF0] =	vst v8;
	v5 =	vand.u32 $0x7F, v5;
	v4 =	vor.u32 v4, v62;
	v6 =	vld.idx.msk [tilespmem:v6+s2+$0x0], $0xffff  }
0x50: {  	s31 =	sadd.s32 $0x80, s13;
	v5 =	vor.u32 v5, v63;
	[tilespmem:s14+$0x0] =	vst v7;
	v0 =	vld.idx.msk [tilespmem:v0+s2+$0x0], $0xffff  }
0x51: {  	[tilespmem:s31+$0x30] =	vst v13;
	v1 =	vld.idx.msk [tilespmem:v1+s2+$0x0], $0xffff  }
0x52: {  	[tilespmem:s14+$0x10] =	vst v10;
	v2 =	vld.idx.msk [tilespmem:v2+s2+$0x0], $0xffff  }
0x53: {  	[tilespmem:s14+$0x20] =	vst v12;
	v3 =	vld.idx.msk [tilespmem:v3+s2+$0x0], $0xffff  }
0x54: {  	v4 =	vld.idx.msk [tilespmem:v4+s2+$0x0], $0xffff;
	[tilespmem:s31+$0xFFFFFFC0] =	vst v6  }
0x55: {  	v5 =	vld.idx.msk [tilespmem:v5+s2+$0x0], $0xffff;
	[tilespmem:s31+$0xFFFFFFD0] =	vst v0  }
0x56: {  	[tilespmem:s31+$0xFFFFFFE0] =	vst v1  }
0x57: {  	[tilespmem:s31+$0xFFFFFFF0] =	vst v2  }
0x58: {  	s12 =	sadd.s32 $0x1, s12;
	[tilespmem:s31+$0x0] =	vst v3  }
0x59: {  	p0 =	sne.s32 s12, s6;
	[tilespmem:s31+$0x10] =	vst v4  }
.Ltmp1:
0x5a: {  	[tilespmem:s31+$0x20] =	vst v5;
	(pc) =	sbr.rel @p0 .LBB2_1-.Ltmp1, $4  }
0x5b: {  	[hbm4b:s5+s2] =	stream.linear.scatter [tilespmem:s11], [sflag:$0x1], $0x4000, $0x38;
	[tilespmem:$0xE400] =	vst v63  }
0x5c: {  	_ =	swait.ge [sflag:s9], $0x4000  }
0x5d: {  	[sflag:s9] =	ssyncset.done $0x0  }
0x5e: {  	[sflag:s9] =	ssyncadd.s32 $0xFFFFC000  }
0x5f: {  	_ =	sfence.sel $0x180000  }
0x60: {  	[bflag:$0x0] =	sbarrier.arrive $0xFFFF  }
0x61: {  	p0 =	sne.s32 s1, $0x0;
	_ =	strace $0x90000047  }
0x62: {  	s0 =	sadd.s32 @!p0 $0x100000, s0;
	[bflag:$0x2] =	sbarrier.arrive $0xFFFF  }
0x63: {  	[sflag:s0] =	ssyncadd.tile.s32 @!p0 $0x1;
	_ =	shalt  }
.Lfunc_end2:
_tile_overlayer_lowered:
.L_overlay_start_2:
0x64: {  	(tag) =	ssettag $0x2  }
0x65: {  	s0 =	rddreg [dreg:$0x0];
	s2 =	stileid.u32  }
0x66: {  	s1 =	rddreg [dreg:$0x1];
	p0 =	sne.s32 s2, $0x0  }
0x67: {  	s3 =	rddreg [dreg:$0x2];
	[bflag:$0x3] =	sbarrier.arrive $0xFFFF;
	s2 =	simm.s32 @!p0 $0x1C01  }
0x68: {  	[timem:s3], [sflag:s2] =	dma.local @!p0 [hbm:s0], s1  }
0x69: {  	s0 =	simm.s32 @!p0 $0x1  }
0x6a: {  	_ =	swait.ge @!p0 [sflag:s0], s1  }
0x6b: {  	s1 =	ssub.s32 @!p0 $0x0, s1;
	[sflag:s0] =	ssyncset.done @!p0 $0x0  }
0x6c: {  	[sflag:s0] =	ssyncadd.s32 @!p0 s1  }
0x6d: {  	[bflag:$0x3] =	sbarrier.arrive $0xFFFF  }
0x6e: {  	_ =	shalt  }

</sc_bundles>
